<compile_context>
chip_gen: v7x
topology: tpu7x:2x2x1
jax: 0.10.2.dev20260603
libtpu: 0.0.44.dev20260713+nightly
codegen_flags: <defaults>
</compile_context>

<pallas_src>
import functools

import jax
import jax.numpy as jnp
from jax import lax
from jax.experimental import pallas as pl
from jax.experimental.pallas import tpu as pltpu
from jax.experimental.pallas import tpu_sc as plsc

_K = 8192
_D = 256
_N = 16384
_BN = 256
_STEPS = _N // _BN

_NC = 2
_NS = 16
_NW = _NC * _NS
_BPW = _N // _NW
_CH = 256


def _dist_kernel(x_ref, et_ref, xsq_ref, esq_ref, idx_ref, msum_ref):
    i = pl.program_id(0)
    xb = x_ref[...].astype(jnp.bfloat16)
    eb = et_ref[...].astype(jnp.bfloat16)
    dot = lax.dot_general(
        xb, eb, (((1,), (1,)), ((), ())),
        preferred_element_type=jnp.float32)
    d = (xsq_ref[...] - 2.0 * dot) + esq_ref[...]
    kio = lax.broadcasted_iota(jnp.int32, (_BN, _K // 2), 1)
    d0 = d[:, : _K // 2]
    d1 = d[:, _K // 2:]
    m0 = jnp.min(d0, axis=1, keepdims=True)
    m1 = jnp.min(d1, axis=1, keepdims=True)
    idx0 = jnp.min(jnp.where(d0 == m0, kio, _K), axis=1, keepdims=True)
    idx1 = jnp.min(jnp.where(d1 == m1, kio, _K), axis=1, keepdims=True) + _K // 2
    pick1 = m1 < m0.astype(jnp.bfloat16).astype(jnp.float32)
    idx_ref[...] = jnp.where(pick1, idx1, idx0)
    m = jnp.where(pick1, m1, m0)

    @pl.when(i == 0)
    def _():
        msum_ref[...] = jnp.zeros_like(msum_ref)

    msum_ref[...] += jnp.sum(m)


def _argmin_dist(flat, e_t, xsq, esq):
    return pl.pallas_call(
        _dist_kernel,
        grid=(_STEPS,),
        in_specs=[
            pl.BlockSpec((_BN, _D), lambda i: (i, 0)),
            pl.BlockSpec((_K, _D), lambda i: (0, 0)),
            pl.BlockSpec((_BN, 1), lambda i: (i, 0)),
            pl.BlockSpec((1, _K), lambda i: (0, 0)),
        ],
        out_specs=[
            pl.BlockSpec((_BN, 1), lambda i: (i, 0)),
            pl.BlockSpec((1, 1), lambda i: (0, 0)),
        ],
        out_shape=[
            jax.ShapeDtypeStruct((_N, 1), jnp.int32),
            jax.ShapeDtypeStruct((1, 1), jnp.float32),
        ],
    )(flat, e_t, xsq, esq)


def _sc_gather(table, idx):
    mesh = plsc.VectorSubcoreMesh(core_axis_name="c", subcore_axis_name="s")

    @functools.partial(
        pl.kernel,
        out_type=jax.ShapeDtypeStruct((_N, _D), jnp.float32),
        mesh=mesh,
        scratch_types=[
            pltpu.VMEM((_BPW,), jnp.int32),
            pltpu.VMEM((_CH, _D), jnp.float32),
            pltpu.SemaphoreType.DMA,
        ],
    )
    def gather_k(table_hbm, idx_hbm, out_hbm, idx_v, rows_v, sem):
        wid = lax.axis_index("s") * _NC + lax.axis_index("c")
        base = wid * _BPW
        pltpu.sync_copy(idx_hbm.at[pl.ds(base, _BPW)], idx_v)
        for c in range(_BPW // _CH):
            pltpu.async_copy(
                table_hbm.at[idx_v.at[pl.ds(c * _CH, _CH)]], rows_v, sem
            ).wait()
            pltpu.sync_copy(rows_v, out_hbm.at[pl.ds(base + c * _CH, _CH)])

    return gather_k(table, idx)


def kernel(inputs, embedding_weight):
    B, C, H, W = inputs.shape
    x = jnp.transpose(inputs, (0, 2, 3, 1))
    flat = x.reshape(-1, _D)
    xsq = jnp.sum(flat ** 2, axis=1, keepdims=True)
    esq = jnp.sum(embedding_weight ** 2, axis=1)[None, :]

    idx2, msum = _argmin_dist(flat, embedding_weight, xsq, esq)
    idx = idx2[:, 0]

    q_flat = _sc_gather(embedding_weight, idx)
    quantized_st = jnp.transpose(q_flat.reshape(B, H, W, C), (0, 3, 1, 2))
    loss = msum[0, 0] * (1.25 / (_N * _D))
    return quantized_st, loss, idx.reshape(B, H, W)

# --- scband reference (transcript-rebuilt; emitter-appended) ---
"""Pipeline reference for scband-vector-quantizer-17291538334229 (READ-ONLY COPY).

The authoritative reference and input builder live on the scoring server;
editing this copy changes nothing except your own understanding.
"""

import jax, jax.numpy as jnp
import numpy as np

NUM_EMBEDDINGS = 8192
EMBEDDING_DIM = 256
COMMITMENT_COST = 0.25

def setup_inputs(seed: int = 0) -> dict:
    key = jax.random.key(seed)
    k1, k2 = jax.random.split(key)
    inputs = jax.random.normal(k1, (16, 256, 32, 32), dtype=jnp.float32)
    # embedding initialized uniform(-1/K, 1/K) as in the torch module
    embedding_weight = jax.random.uniform(
        k2, (NUM_EMBEDDINGS, EMBEDDING_DIM), dtype=jnp.float32,
        minval=-1.0 / NUM_EMBEDDINGS, maxval=1.0 / NUM_EMBEDDINGS)
    return {"inputs": inputs, "embedding_weight": embedding_weight}

def reference(inputs, embedding_weight):
    B, C, H, W = inputs.shape
    x = jnp.transpose(inputs, (0, 2, 3, 1))  # BHWC
    flat_input = x.reshape(-1, EMBEDDING_DIM)
    distances = (jnp.sum(flat_input ** 2, axis=1, keepdims=True)
                 - 2.0 * flat_input @ embedding_weight.T
                 + jnp.sum(embedding_weight ** 2, axis=1))
    encoding_indices = jnp.argmin(distances, axis=1)
    encodings = jax.nn.one_hot(encoding_indices, NUM_EMBEDDINGS, dtype=flat_input.dtype)
    quantized = (encodings @ embedding_weight).reshape(x.shape)
    quantized_bchw = jnp.transpose(quantized, (0, 3, 1, 2))
    commitment_loss = COMMITMENT_COST * jnp.mean(
        (jax.lax.stop_gradient(quantized_bchw) - inputs) ** 2)
    embedding_loss = jnp.mean((quantized_bchw - jax.lax.stop_gradient(inputs)) ** 2)
    loss = commitment_loss + embedding_loss
    quantized_st = inputs + jax.lax.stop_gradient(quantized_bchw - inputs)
    return quantized_st, loss, encoding_indices.reshape(B, H, W)

if __name__ == "__main__":
    import jax
    _d = setup_inputs()
    print(jax.jit(kernel)(*tuple(_d.values())))

</pallas_src>

<mosaic_0001>
#map = affine_map<(d0, d1) -> (0, 0)>
#map1 = affine_map<(d0, d1) -> (0)>
module attributes {stable_mosaic.version = 14 : i64} {
  func.func @gather_k(%arg0: i32, %arg1: i32, %arg2: memref<8192x256xf32, #tpu.memory_space<hbm>>, %arg3: memref<16384xi32, #tpu.memory_space<hbm>>, %arg4: memref<16384x256xf32, #tpu.memory_space<hbm>>, %arg5: memref<512xi32, #tpu.memory_space<vmem>>, %arg6: memref<256x256xf32, #tpu.memory_space<vmem>>, %arg7: memref<!tpu.dma_semaphore, #tpu.memory_space<semaphore_mem>>) attributes {dimension_semantics = [#tpu.dimension_semantics<core_parallel>, #tpu.dimension_semantics<subcore_parallel>], iteration_bounds = array<i64: 2, 16>, scalar_prefetch = 0 : i64, scratch_operands = 3 : i64, tpu.core_type = #tpu.core_type<sc_vector_subcore>, window_params = [{transform_indices = #map}, {transform_indices = #map1}, {transform_indices = #map}]} {
    %mul3A = arith.constant 2 : i32
    %mul3A_0 = arith.muli %arg1, %mul3A : i32
    %add3A = arith.addi %mul3A_0, %arg0 : i32
    %mul3A_1 = arith.constant 512 : i32
    %mul3A_2 = arith.muli %add3A, %mul3A_1 : i32
    "tpu.region"() ({
      %run_scoped3A = tpu.sem_alloc : memref<!tpu.dma_semaphore, #tpu.memory_space<semaphore_mem>>
      %dma_start3A_25 = tpu.memref_slice %arg3[%mul3A_2] : memref<16384xi32, #tpu.memory_space<hbm>> -> memref<512xi32, #tpu.memory_space<hbm>>
      %dma_start3A_26 = tpu.memref_slice %arg3[%mul3A_2] : memref<16384xi32, #tpu.memory_space<hbm>> -> memref<512xi32, #tpu.memory_space<hbm>>
      tpu.enqueue_dma source(%dma_start3A_26 : memref<512xi32, #tpu.memory_space<hbm>>) target(%arg5 : memref<512xi32, #tpu.memory_space<vmem>>) target_semaphore(%run_scoped3A : memref<!tpu.dma_semaphore, #tpu.memory_space<semaphore_mem>>)
      %dma_wait3A_27 = tpu.memref_slice %arg3[%mul3A_2] : memref<16384xi32, #tpu.memory_space<hbm>> -> memref<512xi32, #tpu.memory_space<hbm>>
      %dma_wait3A_28 = tpu.memref_slice %arg3[%mul3A_2] : memref<16384xi32, #tpu.memory_space<hbm>> -> memref<512xi32, #tpu.memory_space<hbm>>
      tpu.wait_dma2 semaphore(%run_scoped3A : memref<!tpu.dma_semaphore, #tpu.memory_space<semaphore_mem>>) src(%dma_wait3A_28 : memref<512xi32, #tpu.memory_space<hbm>>) dst(%arg5 : memref<512xi32, #tpu.memory_space<vmem>>)
      tpu.yield
    }) : () -> ()
    %dma_start3A = arith.constant 0 : i32
    %dma_start3A_3 = tpu.memref_slice %arg5[%dma_start3A] : memref<512xi32, #tpu.memory_space<vmem>> -> memref<256xi32, #tpu.memory_space<vmem>>
    %dma_start3A_4 = arith.constant 0 : i32
    %dma_start3A_5 = arith.constant 0 : i32
    %dma_start3A_6 = tpu.memref_slice %arg2[%dma_start3A_4, %dma_start3A_5] : memref<8192x256xf32, #tpu.memory_space<hbm>> -> memref<8192x256xf32, #tpu.memory_space<hbm>>
    tpu.enqueue_indirect_dma source(%dma_start3A_6 : memref<8192x256xf32, #tpu.memory_space<hbm>>) target(%arg6 : memref<256x256xf32, #tpu.memory_space<vmem>>) offsets(%dma_start3A_3 : memref<256xi32, #tpu.memory_space<vmem>>) semaphore(%arg7 : memref<!tpu.dma_semaphore, #tpu.memory_space<semaphore_mem>>)
    %dma_wait3A = arith.constant 0 : i32
    %dma_wait3A_7 = tpu.memref_slice %arg5[%dma_wait3A] : memref<512xi32, #tpu.memory_space<vmem>> -> memref<256xi32, #tpu.memory_space<vmem>>
    %dma_wait3A_8 = arith.constant 0 : i32
    %dma_wait3A_9 = arith.constant 0 : i32
    %dma_wait3A_10 = tpu.memref_slice %arg2[%dma_wait3A_8, %dma_wait3A_9] : memref<8192x256xf32, #tpu.memory_space<hbm>> -> memref<8192x256xf32, #tpu.memory_space<hbm>>
    tpu.wait_indirect_dma semaphore(%arg7 : memref<!tpu.dma_semaphore, #tpu.memory_space<semaphore_mem>>) src(%dma_wait3A_10 : memref<8192x256xf32, #tpu.memory_space<hbm>>) dst(%arg6 : memref<256x256xf32, #tpu.memory_space<vmem>>)
    %add3A_11 = arith.constant 0 : i32
    %add3A_12 = arith.addi %mul3A_2, %add3A_11 : i32
    "tpu.region"() ({
      %run_scoped3A = tpu.sem_alloc : memref<!tpu.dma_semaphore, #tpu.memory_space<semaphore_mem>>
      %dma_start3A_25 = arith.constant 0 : i32
      %dma_start3A_26 = tpu.memref_slice %arg4[%add3A_12, %dma_start3A_25] : memref<16384x256xf32, #tpu.memory_space<hbm>> -> memref<256x256xf32, #tpu.memory_space<hbm>>
      %dma_start3A_27 = arith.constant 0 : i32
      %dma_start3A_28 = tpu.memref_slice %arg4[%add3A_12, %dma_start3A_27] : memref<16384x256xf32, #tpu.memory_space<hbm>> -> memref<256x256xf32, #tpu.memory_space<hbm>>
      tpu.enqueue_dma source(%arg6 : memref<256x256xf32, #tpu.memory_space<vmem>>) target(%dma_start3A_28 : memref<256x256xf32, #tpu.memory_space<hbm>>) target_semaphore(%run_scoped3A : memref<!tpu.dma_semaphore, #tpu.memory_space<semaphore_mem>>)
      %dma_wait3A_29 = arith.constant 0 : i32
      %dma_wait3A_30 = tpu.memref_slice %arg4[%add3A_12, %dma_wait3A_29] : memref<16384x256xf32, #tpu.memory_space<hbm>> -> memref<256x256xf32, #tpu.memory_space<hbm>>
      %dma_wait3A_31 = arith.constant 0 : i32
      %dma_wait3A_32 = tpu.memref_slice %arg4[%add3A_12, %dma_wait3A_31] : memref<16384x256xf32, #tpu.memory_space<hbm>> -> memref<256x256xf32, #tpu.memory_space<hbm>>
      tpu.wait_dma2 semaphore(%run_scoped3A : memref<!tpu.dma_semaphore, #tpu.memory_space<semaphore_mem>>) src(%arg6 : memref<256x256xf32, #tpu.memory_space<vmem>>) dst(%dma_wait3A_32 : memref<256x256xf32, #tpu.memory_space<hbm>>)
      tpu.yield
    }) : () -> ()
    %dma_start3A_13 = arith.constant 256 : i32
    %dma_start3A_14 = tpu.memref_slice %arg5[%dma_start3A_13] : memref<512xi32, #tpu.memory_space<vmem>> -> memref<256xi32, #tpu.memory_space<vmem>>
    %dma_start3A_15 = arith.constant 0 : i32
    %dma_start3A_16 = arith.constant 0 : i32
    %dma_start3A_17 = tpu.memref_slice %arg2[%dma_start3A_15, %dma_start3A_16] : memref<8192x256xf32, #tpu.memory_space<hbm>> -> memref<8192x256xf32, #tpu.memory_space<hbm>>
    tpu.enqueue_indirect_dma source(%dma_start3A_17 : memref<8192x256xf32, #tpu.memory_space<hbm>>) target(%arg6 : memref<256x256xf32, #tpu.memory_space<vmem>>) offsets(%dma_start3A_14 : memref<256xi32, #tpu.memory_space<vmem>>) semaphore(%arg7 : memref<!tpu.dma_semaphore, #tpu.memory_space<semaphore_mem>>)
    %dma_wait3A_18 = arith.constant 256 : i32
    %dma_wait3A_19 = tpu.memref_slice %arg5[%dma_wait3A_18] : memref<512xi32, #tpu.memory_space<vmem>> -> memref<256xi32, #tpu.memory_space<vmem>>
    %dma_wait3A_20 = arith.constant 0 : i32
    %dma_wait3A_21 = arith.constant 0 : i32
    %dma_wait3A_22 = tpu.memref_slice %arg2[%dma_wait3A_20, %dma_wait3A_21] : memref<8192x256xf32, #tpu.memory_space<hbm>> -> memref<8192x256xf32, #tpu.memory_space<hbm>>
    tpu.wait_indirect_dma semaphore(%arg7 : memref<!tpu.dma_semaphore, #tpu.memory_space<semaphore_mem>>) src(%dma_wait3A_22 : memref<8192x256xf32, #tpu.memory_space<hbm>>) dst(%arg6 : memref<256x256xf32, #tpu.memory_space<vmem>>)
    %add3A_23 = arith.constant 256 : i32
    %add3A_24 = arith.addi %mul3A_2, %add3A_23 : i32
    "tpu.region"() ({
      %run_scoped3A = tpu.sem_alloc : memref<!tpu.dma_semaphore, #tpu.memory_space<semaphore_mem>>
      %dma_start3A_25 = arith.constant 0 : i32
      %dma_start3A_26 = tpu.memref_slice %arg4[%add3A_24, %dma_start3A_25] : memref<16384x256xf32, #tpu.memory_space<hbm>> -> memref<256x256xf32, #tpu.memory_space<hbm>>
      %dma_start3A_27 = arith.constant 0 : i32
      %dma_start3A_28 = tpu.memref_slice %arg4[%add3A_24, %dma_start3A_27] : memref<16384x256xf32, #tpu.memory_space<hbm>> -> memref<256x256xf32, #tpu.memory_space<hbm>>
      tpu.enqueue_dma source(%arg6 : memref<256x256xf32, #tpu.memory_space<vmem>>) target(%dma_start3A_28 : memref<256x256xf32, #tpu.memory_space<hbm>>) target_semaphore(%run_scoped3A : memref<!tpu.dma_semaphore, #tpu.memory_space<semaphore_mem>>)
      %dma_wait3A_29 = arith.constant 0 : i32
      %dma_wait3A_30 = tpu.memref_slice %arg4[%add3A_24, %dma_wait3A_29] : memref<16384x256xf32, #tpu.memory_space<hbm>> -> memref<256x256xf32, #tpu.memory_space<hbm>>
      %dma_wait3A_31 = arith.constant 0 : i32
      %dma_wait3A_32 = tpu.memref_slice %arg4[%add3A_24, %dma_wait3A_31] : memref<16384x256xf32, #tpu.memory_space<hbm>> -> memref<256x256xf32, #tpu.memory_space<hbm>>
      tpu.wait_dma2 semaphore(%run_scoped3A : memref<!tpu.dma_semaphore, #tpu.memory_space<semaphore_mem>>) src(%arg6 : memref<256x256xf32, #tpu.memory_space<vmem>>) dst(%dma_wait3A_32 : memref<256x256xf32, #tpu.memory_space<hbm>>)
      tpu.yield
    }) : () -> ()
    return
  }
}

module attributes {stable_mosaic.version = 14 : i64} {
  func.func @_dist_kernel(%arg0: i32, %arg1: memref<256x256xf32, #tpu.memory_space<vmem>>, %arg2: memref<8192x256xf32, #tpu.memory_space<vmem>>, %arg3: memref<256x1xf32, #tpu.memory_space<vmem>>, %arg4: memref<1x8192xf32, #tpu.memory_space<vmem>>, %arg5: memref<256x1xi32, #tpu.memory_space<vmem>>, %arg6: memref<1x1xf32, #tpu.memory_space<vmem>>) attributes {dimension_semantics = [#tpu.dimension_semantics<arbitrary>], iteration_bounds = array<i64: 64>, scalar_prefetch = 0 : i64, scratch_operands = 0 : i64, tpu.core_type = #tpu.core_type<tc>, window_params = [{transform_indices = @transform_0, window_bounds = array<i64: 256, 256>}, {pipeline_mode = #tpu.pipeline_mode<synchronous>, transform_indices = @transform_1, window_bounds = array<i64: 8192, 256>}, {transform_indices = @transform_2, window_bounds = array<i64: 256, 1>}, {pipeline_mode = #tpu.pipeline_mode<synchronous>, transform_indices = @transform_3, window_bounds = array<i64: 1, 8192>}, {transform_indices = @transform_4, window_bounds = array<i64: 256, 1>}, {pipeline_mode = #tpu.pipeline_mode<synchronous>, transform_indices = @transform_5, window_bounds = array<i64: 1, 1>}]} {
    %get3A = arith.constant 0 : index
    %get3A_0 = arith.constant 0 : index
    %get3A_1 = vector.load %arg1[%get3A, %get3A_0] : memref<256x256xf32, #tpu.memory_space<vmem>>, vector<256x256xf32>
    %convert_element_type3A = arith.truncf %get3A_1 : vector<256x256xf32> to vector<256x256xbf16>
    %get3A_2 = arith.constant 0 : index
    %get3A_3 = arith.constant 0 : index
    %get3A_4 = vector.load %arg2[%get3A_2, %get3A_3] : memref<8192x256xf32, #tpu.memory_space<vmem>>, vector<8192x256xf32>
    %convert_element_type3A_5 = arith.truncf %get3A_4 : vector<8192x256xf32> to vector<8192x256xbf16>
    %dot_general3A = arith.constant dense<0.000000e+00> : vector<256x8192xf32>
    %dot_general3A_6 = tpu.matmul %convert_element_type3A, %convert_element_type3A_5, %dot_general3A {dimension_numbers = #tpu.dot_dimension_numbers<[1], [1], [0], [0], [0, 0, 1, 0], [], []>, transpose_lhs_hint = false} : vector<256x256xbf16>, vector<8192x256xbf16>, vector<256x8192xf32> -> vector<256x8192xf32>
    %get3A_7 = arith.constant 0 : index
    %get3A_8 = arith.constant 0 : index
    %get3A_9 = vector.load %arg3[%get3A_7, %get3A_8] : memref<256x1xf32, #tpu.memory_space<vmem>>, vector<256x1xf32>
    %mul3A = arith.constant 2.000000e+00 : f32
    %mul3A_10 = vector.broadcast %mul3A : f32 to vector<256x8192xf32>
    %mul3A_11 = arith.mulf %mul3A_10, %dot_general3A_6 : vector<256x8192xf32>
    %sub3A = vector.broadcast %get3A_9 : vector<256x1xf32> to vector<256x8192xf32>
    %sub3A_12 = arith.subf %sub3A, %mul3A_11 : vector<256x8192xf32>
    %get3A_13 = arith.constant 0 : index
    %get3A_14 = arith.constant 0 : index
    %get3A_15 = vector.load %arg4[%get3A_13, %get3A_14] : memref<1x8192xf32, #tpu.memory_space<vmem>>, vector<1x8192xf32>
    %add3A = vector.broadcast %get3A_15 : vector<1x8192xf32> to vector<256x8192xf32>
    %add3A_16 = arith.addf %sub3A_12, %add3A : vector<256x8192xf32>
    %iota3A = tpu.iota {dimensions = array<i32: 1>} : vector<256x4096xi32>
    %slice3A = vector.extract_strided_slice %add3A_16 {offsets = [0, 0], sizes = [256, 4096], strides = [1, 1]} : vector<256x8192xf32> to vector<256x4096xf32>
    %slice3A_17 = vector.extract_strided_slice %add3A_16 {offsets = [0, 4096], sizes = [256, 4096], strides = [1, 1]} : vector<256x8192xf32> to vector<256x4096xf32>
    %reduce_min3A = arith.constant dense<0x7F800000> : vector<256xf32>
    %reduce_min3A_18 = vector.multi_reduction <minimumf>, %slice3A, %reduce_min3A [1] : vector<256x4096xf32> to vector<256xf32>
    %broadcast_in_dim3A = vector.shape_cast %reduce_min3A_18 : vector<256xf32> to vector<256x1xf32>
    %reduce_min3A_19 = arith.constant dense<0x7F800000> : vector<256xf32>
    %reduce_min3A_20 = vector.multi_reduction <minimumf>, %slice3A_17, %reduce_min3A_19 [1] : vector<256x4096xf32> to vector<256xf32>
    %broadcast_in_dim3A_21 = vector.shape_cast %reduce_min3A_20 : vector<256xf32> to vector<256x1xf32>
    %eq3A = vector.broadcast %broadcast_in_dim3A : vector<256x1xf32> to vector<256x4096xf32>
    %eq3A_22 = arith.cmpf oeq, %slice3A, %eq3A : vector<256x4096xf32>
    %jit3A = arith.constant 8192 : i32
    %broadcast_in_dim3A_23 = vector.broadcast %jit3A : i32 to vector<256x4096xi32>
    %select_n3A = arith.select %eq3A_22, %iota3A, %broadcast_in_dim3A_23 : vector<256x4096xi1>, vector<256x4096xi32>
    %reduce_min3A_24 = arith.constant dense<2147483647> : vector<256xi32>
    %reduce_min3A_25 = vector.multi_reduction <minsi>, %select_n3A, %reduce_min3A_24 [1] : vector<256x4096xi32> to vector<256xi32>
    %broadcast_in_dim3A_26 = vector.shape_cast %reduce_min3A_25 : vector<256xi32> to vector<256x1xi32>
    %eq3A_27 = vector.broadcast %broadcast_in_dim3A_21 : vector<256x1xf32> to vector<256x4096xf32>
    %eq3A_28 = arith.cmpf oeq, %slice3A_17, %eq3A_27 : vector<256x4096xf32>
    %jit3A_29 = arith.constant 8192 : i32
    %broadcast_in_dim3A_30 = vector.broadcast %jit3A_29 : i32 to vector<256x4096xi32>
    %select_n3A_31 = arith.select %eq3A_28, %iota3A, %broadcast_in_dim3A_30 : vector<256x4096xi1>, vector<256x4096xi32>
    %reduce_min3A_32 = arith.constant dense<2147483647> : vector<256xi32>
    %reduce_min3A_33 = vector.multi_reduction <minsi>, %select_n3A_31, %reduce_min3A_32 [1] : vector<256x4096xi32> to vector<256xi32>
    %broadcast_in_dim3A_34 = vector.shape_cast %reduce_min3A_33 : vector<256xi32> to vector<256x1xi32>
    %add3A_35 = arith.constant 4096 : i32
    %add3A_36 = vector.broadcast %add3A_35 : i32 to vector<256x1xi32>
    %add3A_37 = arith.addi %broadcast_in_dim3A_34, %add3A_36 : vector<256x1xi32>
    %convert_element_type3A_38 = arith.truncf %broadcast_in_dim3A : vector<256x1xf32> to vector<256x1xbf16>
    %convert_element_type3A_39 = arith.extf %convert_element_type3A_38 : vector<256x1xbf16> to vector<256x1xf32>
    %lt3A = arith.cmpf olt, %broadcast_in_dim3A_21, %convert_element_type3A_39 : vector<256x1xf32>
    %select_n3A_40 = arith.select %lt3A, %add3A_37, %broadcast_in_dim3A_26 : vector<256x1xi1>, vector<256x1xi32>
    %swap3A = arith.constant 0 : index
    %swap3A_41 = arith.constant 0 : index
    %swap3A_42 = vector.load %arg5[%swap3A, %swap3A_41] : memref<256x1xi32, #tpu.memory_space<vmem>>, vector<256x1xi32>
    tpu.vector_store %arg5[%swap3A, %swap3A_41], %select_n3A_40 {strides = array<i32>} : memref<256x1xi32, #tpu.memory_space<vmem>>, vector<256x1xi32>,
    %select_n3A_43 = arith.select %lt3A, %broadcast_in_dim3A_21, %broadcast_in_dim3A : vector<256x1xi1>, vector<256x1xf32>
    %eq3A_44 = arith.constant 0 : i32
    %eq3A_45 = arith.cmpi eq, %arg0, %eq3A_44 : i32
    %convert_element_type3A_46 = arith.extui %eq3A_45 : i1 to i32
    %cond3A = arith.constant 0 : i32
    %cond3A_47 = arith.cmpi ne, %convert_element_type3A_46, %cond3A : i32
    scf.if %cond3A_47 {
      %broadcast_in_dim3A_60 = arith.constant 0.000000e+00 : f32
      %broadcast_in_dim3A_61 = vector.broadcast %broadcast_in_dim3A_60 : f32 to vector<1x1xf32>
      %swap3A_62 = arith.constant 0 : index
      %swap3A_63 = arith.constant 0 : index
      %swap3A_64 = vector.load %arg6[%swap3A_62, %swap3A_63] : memref<1x1xf32, #tpu.memory_space<vmem>>, vector<1x1xf32>
      tpu.vector_store %arg6[%swap3A_62, %swap3A_63], %broadcast_in_dim3A_61 {strides = array<i32>} : memref<1x1xf32, #tpu.memory_space<vmem>>, vector<1x1xf32>,
    } else {
    }
    %get3A_48 = arith.constant 0 : index
    %get3A_49 = arith.constant 0 : index
    %get3A_50 = vector.load %arg6[%get3A_48, %get3A_49] : memref<1x1xf32, #tpu.memory_space<vmem>>, vector<1x1xf32>
    %reduce_sum3A = vector.shape_cast %select_n3A_43 : vector<256x1xf32> to vector<1x256x1xf32>
    %reduce_sum3A_51 = arith.constant dense<0.000000e+00> : vector<1xf32>
    %reduce_sum3A_52 = vector.multi_reduction <add>, %reduce_sum3A, %reduce_sum3A_51 [1, 2] : vector<1x256x1xf32> to vector<1xf32>
    %reduce_sum3A_53 = vector.shape_cast %reduce_sum3A_52 : vector<1xf32> to vector<1x1x1xf32>
    %reduce_sum3A_54 = vector.extract %reduce_sum3A_53[0, 0, 0] : f32 from vector<1x1x1xf32>
    %add3A_55 = vector.broadcast %reduce_sum3A_54 : f32 to vector<1x1xf32>
    %add3A_56 = arith.addf %get3A_50, %add3A_55 : vector<1x1xf32>
    %swap3A_57 = arith.constant 0 : index
    %swap3A_58 = arith.constant 0 : index
    %swap3A_59 = vector.load %arg6[%swap3A_57, %swap3A_58] : memref<1x1xf32, #tpu.memory_space<vmem>>, vector<1x1xf32>
    tpu.vector_store %arg6[%swap3A_57, %swap3A_58], %add3A_56 {strides = array<i32>} : memref<1x1xf32, #tpu.memory_space<vmem>>, vector<1x1xf32>,
    return
  }
  func.func @transform_0(%arg0: i32) -> (i32, i32) {
    %c0_i32 = arith.constant 0 : i32
    %c0_i32_0 = arith.constant 0 : i32
    return %arg0, %c0_i32 : i32, i32
  }
  func.func @transform_1(%arg0: i32) -> (i32, i32) {
    %c0_i32 = arith.constant 0 : i32
    %c0_i32_0 = arith.constant 0 : i32
    %c0_i32_1 = arith.constant 0 : i32
    return %c0_i32, %c0_i32_0 : i32, i32
  }
  func.func @transform_2(%arg0: i32) -> (i32, i32) {
    %c0_i32 = arith.constant 0 : i32
    %c0_i32_0 = arith.constant 0 : i32
    return %arg0, %c0_i32 : i32, i32
  }
  func.func @transform_3(%arg0: i32) -> (i32, i32) {
    %c0_i32 = arith.constant 0 : i32
    %c0_i32_0 = arith.constant 0 : i32
    %c0_i32_1 = arith.constant 0 : i32
    return %c0_i32, %c0_i32_0 : i32, i32
  }
  func.func @transform_4(%arg0: i32) -> (i32, i32) {
    %c0_i32 = arith.constant 0 : i32
    %c0_i32_0 = arith.constant 0 : i32
    return %arg0, %c0_i32 : i32, i32
  }
  func.func @transform_5(%arg0: i32) -> (i32, i32) {
    %c0_i32 = arith.constant 0 : i32
    %c0_i32_0 = arith.constant 0 : i32
    %c0_i32_1 = arith.constant 0 : i32
    return %c0_i32, %c0_i32_0 : i32, i32
  }
}

</mosaic_0001>

<sc_bundles>
// kernel: kernel.4.cloned.1.call-start
scs
__scs_entry_jumppad:
0x0: {  	(pc) =	sbr.rel $0x88, $3  }
0x1: {  	(tag) =	ssettag $0x0;
	lr =	simm.s32 $0x1  }
0x2: {  	[smem:$0x3F9F] =	sst lr;
	_ =	strace $0xD0000000  }
0x3: {  	_ = 	snop  }
0x4: {  	_ = 	snop  }
0x5: {  	_ = 	snop  }
0x6: {  	_ = 	snop  }
0x7: {  	_ = 	snop  }
__scs_overlays_trampoline_lowered:
0x8: {  	[smem:$0x3FAE] =	sst s0  }
0x9: {  	[smem:$0x3FAF] =	sst s1  }
0xa: {  	[smem:$0x3FB0] =	sst s2  }
0xb: {  	[smem:$0x3FB1] =	sst s3  }
0xc: {  	[smem:$0x3FB2] =	sst s4  }
0xd: {  	[smem:$0x3FB3] =	sst s5  }
0xe: {  	[smem:$0x3FB4] =	sst s6  }
0xf: {  	[smem:$0x3FB5] =	sst s7  }
0x10: {  	[smem:$0x3FB6] =	sst s8  }
0x11: {  	[smem:$0x3FB7] =	sst s9;
	s0 =	simm.s32 @!p0 $0x0  }
0x12: {  	s1 =	sld [smem:$0x3F9D];
	s0 =	simm.s32 @p0 $0x1  }
0x13: {  	[smem:$0x3FB8] =	sst s0;
	s0 =	simm.s32 @!p1 $0x0  }
0x14: {  	s2 =	sld [smem:$0x3F9C];
	s0 =	simm.s32 @p1 $0x1  }
0x15: {  	[smem:$0x3FB9] =	sst s0;
	s0 =	simm.s32 @!p2 $0x0  }
0x16: {  	s3 =	sld [smem:$0x3FDB];
	s0 =	simm.s32 @p2 $0x1  }
0x17: {  	s4 =	simm.s32 $0x1BF5;
	[smem:$0x3FBB] =	sst s0  }
0x18: {  	s0 =	sld [smem:$0x3F9E];
	_ =	swait.ge [sflag:s4], $0x0  }
0x19: {  	s7 =	sld [smem:$0x3F9F]  }
0x1a: {  	s8 =	sadd.s32 $0xFFFFE003, lr  }
0x1b: {  	s9 =	sadd.s32 $0xFFFFFEF7, lr;
	s5 =	simm.s32 $0xFFFFFFFF;
	p2 =	slt.u32 s8, $0xFFFFF086  }
0x1c: {  	p1 =	slt.u32 s9, $0xF7A;
	s5 =	simm.s32 @!p2 $0x0  }
0x1d: {  	s5 =	simm.s32 @p1 $0x1;
	p0 =	seq.s32 s7, s2  }
0x1e: {  	s7 =	smul.u32 @!p0 $0xF7A, s2;
	p2 =	seq.s32 @!p0 s5, $0x0  }
0x1f: {  	s9 =	smul.u32 $0xF7A, s1;
	s8 =	simm.s32 @!p0 $0x1BF5;
	p2 =	por !p2, p0  }
0x20: {  	[sflag:s8] =	ssyncset.s32 @!p0 $0xFFFFF086;
	s6 =	sadd.s32 @!p0 s3, s7;
	s7 =	simm.s32 @!p0 $0x108  }
0x21: {  	s3 =	sadd.s32 s3, s9;
	s6 =	sadd.s32 @!p0 $0x88, s6;
	s7 =	simm.s32 @p2 $0x1082  }
0x22: {  	[simem:s7], [sflag:s8] =	dma.local @!p0 [hbm:s6], $0xF7A  }
0x23: {  	s9 =	sor.u32 $0xD0000000, s2;
	s6 =	simm.s32 $0x108;
	_ =	swait.ge @!p0 [sflag:s8], $0x0  }
0x24: {  	s3 =	sadd.s32 $0x88, s3;
	s6 =	simm.s32 @!p1 $0x1082;
	[sflag:s4] =	ssyncset.s32 $0xFFFFF086  }
0x25: {  	[simem:s6], [sflag:s4] =	dma.local [hbm:s3], $0xF7A  }
0x26: {  	[smem:$0x3F9F] =	sst s1;
	(tag) =	ssettag s2;
	_ =	strace s9  }
0x27: {  	s1 =	sld [smem:$0x3FAF]  }
0x28: {  	s2 =	sld [smem:$0x3FB0]  }
0x29: {  	s4 =	sld [smem:$0x3FB2]  }
0x2a: {  	p0 =	seq.s32 s5, $0x0;
	s5 =	sld [smem:$0x3FB3]  }
0x2b: {  	s6 =	sld [smem:$0x3FB4]  }
0x2c: {  	s7 =	sld [smem:$0x3FB5]  }
0x2d: {  	s3 =	simm.s32 $0x108;
	s8 =	sld [smem:$0x3FB6]  }
0x2e: {  	s3 =	simm.s32 @!p0 $0x1082;
	s9 =	sld [smem:$0x3FB7]  }
0x2f: {  	lr =	sadd.s32 s0, s3;
	s0 =	sld [smem:$0x3FAE]  }
0x30: {  	s3 =	sld [smem:$0x3FB1]  }
0x31: {  	[smem:$0x3FBA] =	sst s10  }
0x32: {  	s10 =	sld [smem:$0x3FB8];
	_ =	sdelay $0x3  }
0x33: {  	p0 =	seq.s32 s10, $0x1;
	s10 =	sld [smem:$0x3FBA];
	_ =	sdelay $0x3  }
0x34: {  	[smem:$0x3FBA] =	sst s10  }
0x35: {  	s10 =	sld [smem:$0x3FB9];
	_ =	sdelay $0x3  }
0x36: {  	p1 =	seq.s32 s10, $0x1;
	s10 =	sld [smem:$0x3FBA];
	_ =	sdelay $0x3  }
0x37: {  	[smem:$0x3FBA] =	sst s10  }
0x38: {  	s10 =	sld [smem:$0x3FBB]  }
0x39: {  	_ = 	snop;
	(pc) =	sbr.ind lr, $3  }
0x3a: {  	_ = 	snop  }
0x3b: {  	_ = 	snop  }
0x3c: {  	p2 =	seq.s32 s10, $0x1;
	s10 =	sld [smem:$0x3FBA]  }
0x3d: {  	_ =	shalt  }
0x3e: {  	_ =	shalt  }
0x3f: {  	_ =	shalt  }
0x40: {  	_ =	shalt  }
0x41: {  	_ =	shalt  }
0x42: {  	_ =	shalt  }
0x43: {  	_ =	shalt  }
0x44: {  	_ =	shalt  }
0x45: {  	_ =	shalt  }
0x46: {  	_ =	shalt  }
0x47: {  	_ =	shalt  }
0x48: {  	_ =	shalt  }
0x49: {  	_ =	shalt  }
0x4a: {  	_ =	shalt  }
0x4b: {  	_ =	shalt  }
0x4c: {  	_ =	shalt  }
0x4d: {  	_ =	shalt  }
0x4e: {  	_ =	shalt  }
0x4f: {  	_ =	shalt  }
0x50: {  	_ =	shalt  }
0x51: {  	_ =	shalt  }
0x52: {  	_ =	shalt  }
0x53: {  	_ =	shalt  }
0x54: {  	_ =	shalt  }
0x55: {  	_ =	shalt  }
0x56: {  	_ =	shalt  }
0x57: {  	_ =	shalt  }
0x58: {  	_ =	shalt  }
0x59: {  	_ =	shalt  }
0x5a: {  	_ =	shalt  }
0x5b: {  	_ =	shalt  }
0x5c: {  	_ =	shalt  }
0x5d: {  	_ =	shalt  }
0x5e: {  	_ =	shalt  }
0x5f: {  	_ =	shalt  }
0x60: {  	_ =	shalt  }
0x61: {  	_ =	shalt  }
0x62: {  	_ =	shalt  }
0x63: {  	_ =	shalt  }
0x64: {  	_ =	shalt  }
0x65: {  	_ =	shalt  }
0x66: {  	_ =	shalt  }
0x67: {  	_ =	shalt  }
0x68: {  	_ =	shalt  }
0x69: {  	_ =	shalt  }
0x6a: {  	_ =	shalt  }
0x6b: {  	_ =	shalt  }
0x6c: {  	_ =	shalt  }
0x6d: {  	_ =	shalt  }
0x6e: {  	_ =	shalt  }
0x6f: {  	_ =	shalt  }
0x70: {  	_ =	shalt  }
0x71: {  	_ =	shalt  }
0x72: {  	_ =	shalt  }
0x73: {  	_ =	shalt  }
0x74: {  	_ =	shalt  }
0x75: {  	_ =	shalt  }
0x76: {  	_ =	shalt  }
0x77: {  	_ =	shalt  }
0x78: {  	_ =	shalt  }
0x79: {  	_ =	shalt  }
0x7a: {  	_ =	shalt  }
0x7b: {  	_ =	shalt  }
0x7c: {  	_ =	shalt  }
0x7d: {  	_ =	shalt  }
0x7e: {  	_ =	shalt  }
0x7f: {  	_ =	shalt  }
0x80: {  	_ =	shalt  }
0x81: {  	_ =	shalt  }
0x82: {  	_ =	shalt  }
0x83: {  	_ =	shalt  }
0x84: {  	_ =	shalt  }
0x85: {  	_ =	shalt  }
0x86: {  	_ =	shalt  }
0x87: {  	_ =	shalt  }
.Lfunc_end0:
.L_simem_size_0:
called_computation_lowered:
.L_overlay_start_0:
0x88: {  	s2 =	sld [smem:$0x3FD9]  }
0x89: {  	s3 =	sld [smem:$0x3FFE];
	_ =	sdelay $0x1  }
0x8a: {  	s1 =	srdreg.scid  }
0x8b: {  	s0 =	sand.u32 $0x1, s1  }
0x8c: {  	s14 =	sshll.u32 s0, $0xA;
	s2 =	sadd.s32 s3, s2  }
0x8d: {  	s2 =	sadd.s32 s2, s14  }
0x8e: {  	[smem:$0x3FC6] =	sst s2  }
0x8f: {  	_ = 	snop  }
0x90: {  	s2 =	sld [smem:$0x3FD0];
	_ =	sdelay $0x2  }
0x91: {  	s4 =	simm.s32 $0xA;
	s5 =	simm.s32 $0x10;
	s15 =	sld [smem:$0x3FC8]  }
0x92: {  	[smem:s5], [sflag:s4] =	dma.local [hbm:s2], $0x1  }
0x93: {  	_ =	swait.eq [sflag:s4], $0x1  }
0x94: {  	[sflag:s4] =	ssyncset.done $0x0  }
0x95: {  	[sflag:s4] =	ssyncadd.s32 $0xFFFFFFFF  }
0x96: {  	s16 =	sld [smem:$0x10];
	(tm) =	ssettm $0x1  }
0x97: {  	s17 =	sld [smem:$0x3FFB];
	_ =	sdelay $0x3  }
0x98: {  	_ =	strace s17  }
0x99: {  	s4 =	sld [smem:$0x3FFC];
	_ =	sdelay $0x3  }
0x9a: {  	_ =	strace s4  }
0x9b: {  	s4 =	sld [smem:$0x3FFD];
	_ =	sdelay $0x3  }
0x9c: {  	_ =	strace s4  }
0x9d: {  	_ =	strace $0x8FFFFFFF  }
0x9e: {  	s18 =	sld [smem:$0x3FDB];
	_ =	sdelay $0x1  }
0x9f: {  	s19 =	simm.s32 $_scs_section_size  }
0xa0: {  	s6 =	simm.s32 $_size__tile_overlayer_lowered;
	s7 =	simm.s32 $_tile_overlayer_lowered  }
0xa1: {  	s22 =	simm.s32 $0x1BFF;
	s21 =	sshll.u32 s7, $0x1;
	s4 =	sadd.s32 s19, s18  }
0xa2: {  	s8 =	simm.s32 $0x0;
	s20 =	sshll.u32 s6, $0x1;
	s6 =	sadd.s32 s21, s4  }
0xa3: {  	[timem:s8], [sflag:s22] =	dma.local [hbm:s6], s20  }
0xa4: {  	_ =	swait.ge [sflag:s22], s20  }
0xa5: {  	s5 =	ssub.s32 $0x0, s20;
	[sflag:s22] =	ssyncset.done $0x0  }
0xa6: {  	[sflag:s22] =	ssyncadd.s32 s5;
	_ =	sdelay $0x1  }
0xa7: {  	s23 =	simm.s32 $0x1B8B  }
0xa8: {  	_ =	swait.ge [sflag:s23], $0x1  }
0xa9: {  	[sflag:s23] =	ssyncset.done $0x0  }
0xaa: {  	s25 =	simm.s32 $0x1B8E;
	s24 =	sld [smem:$0x3FFE];
	[sflag:s23] =	ssyncadd.s32 $0xFFFFFFFF  }
0xab: {  	s26 =	simm.s32 $execute0_lowered;
	[smem:$0x3FD2] =	sst s25  }
0xac: {  	s6 =	sshll.u32 s26, $0x1;
	_ =	strace $0x80000046;
	[dreg:$0x1] =	wrdreg $0xFFFFFFFF  }
0xad: {  	s28 =	simm.s32 $_size_execute0_lowered;
	s4 =	sadd.s32 s4, s6;
	[dreg:$0x0] =	wrdreg $0x0  }
0xae: {  	s6 =	sshll.u32 s28, $0x1;
	[dreg:$0x2] =	wrdreg s4  }
0xaf: {  	[dreg:$0x3] =	wrdreg s6  }
0xb0: {  	[dreg:$0x4] =	wrdreg $0xC0  }
0xb1: {  	_ =	task [dreg:s8], $0x5FFFF  }
0xb2: {  	[dreg:$0x1] =	wrdreg $0xFFFFFFFF  }
0xb3: {  	[dreg:$0x0] =	wrdreg $0x60  }
0xb4: {  	[dreg:$0x2] =	wrdreg s15  }
0xb5: {  	[dreg:$0x3] =	wrdreg s24  }
0xb6: {  	[dreg:$0x4] =	wrdreg s16  }
0xb7: {  	[dreg:$0x5] =	wrdreg $0x9  }
0xb8: {  	_ =	task.clear_ibuf [dreg:s8], $0x6FFFF;
	_ =	strace $0x90000046  }
0xb9: {  	s29 =	simm.s32 $0x9;
	_ =	strace $0x80000048  }
0xba: {  	_ =	swait.ge [sflag:s29], $0x1  }
0xbb: {  	[sflag:s29] =	ssyncadd.s32 $0xFFFFFFFF  }
0xbc: {  	_ =	strace $0x90000048  }
0xbd: {  	_ =	sfence  }
0xbe: {  	s30 =	sld [smem:$0x0];
	_ =	sdelay $0x2  }
0xbf: {  	s31 =	sshll.u32 s1, $0xD;
	s1 =	sshrl.u32 s1, $0x2  }
0xc0: {  	s3 =	sand.u32 $0x4000, s31;
	s1 =	sadd.s32 s1, s30  }
0xc1: {  	s0 =	sor.u32 s3, s0;
	s1 =	sshll.u32 s1, $0x11  }
0xc2: {  	s0 =	sor.u32 s1, s0  }
0xc3: {  	s0 =	sadd.s32 $0x8F2B, s0  }
0xc4: {  	[sflag:s0] =	ssyncadd.remote.s32 $0x1  }
0xc5: {  	_ =	sfence.sel $0xFFFF  }
0xc6: {  	[dreg:$0x0] =	wrdreg $0xFFFFFFFF;
	(pc) =	sbr.abs _section_cstart, $3  }
0xc7: {  	[dreg:$0x1] =	wrdreg $0xFFFFFFFF  }
0xc8: {  	_ =	task.clear_ibuf [dreg:s8], $0x2FFFF;
	_ =	strace $0x9FFFFFFF  }
0xc9: {  	(tm) =	ssettm $0x7FFFFFFF  }
tec
execute0_lowered:
.L_overlay_start_1:
0x0: {  	(tag) =	ssettag $0x1  }
0x1: {  	s1 =	rddreg [dreg:$0x0]  }
0x2: {  	s0 =	rddreg [dreg:$0x1]  }
0x3: {  	s2 =	rddreg [dreg:$0x2];
	s4 =	srdreg.scid  }
0x4: {  	s3 =	simm.s32 $0x0;
	s5 =	stileid.u32;
	s14 =	simm.s32 $0x1  }
0x5: {  	s16 =	simm.s32 $0x1200;
	s17 =	simm.s32 $0x1A00;
	s18 =	simm.s32 $0x2200  }
0x6: {  	s19 =	simm.s32 $0x2A00;
	s21 =	simm.s32 $0x3A00;
	s28 =	simm.s32 $0x6A00  }
0x7: {  	s29 =	simm.s32 $0x7200;
	s30 =	simm.s32 $0x7A00;
	s31 =	simm.s32 $0x8200  }
0x8: {  	s8 =	simm.s32 $0x9A00;
	s9 =	simm.s32 $0xA200;
	s10 =	simm.s32 $0xAA00  }
0x9: {  	s11 =	simm.s32 $0xB200;
	s12 =	simm.s32 $0xBA00;
	s13 =	simm.s32 $0xC200  }
0xa: {  	s4 =	sand.u32 $0x1, s4;
	[smem:$0x7FF] =	sst s3;
	s5 =	sshll.u32 s5, $0xA  }
0xb: {  	s6 =	sshll.u32 s4, $0x9;
	_ =	strace $0x80000047;
	s22 =	ssub.s32 $0x2, s4  }
0xc: {  	s4 =	simm.s32 $0x3200;
	s5 =	sor.u32 s6, s5;
	s7 =	sshrl.u32 s22, $0x1  }
0xd: {  	s6 =	simm.s32 $0x2;
	s23 =	sshrl.u32 s5, $0x3;
	s5 =	sshll.u32 s5, $0x5  }
0xe: {  	s25 =	ssub.s32 s22, s7;
	s22 =	simm.s32 $0x4200;
	s7 =	simm.s32 $0xCA00  }
0xf: {  	s0 =	sadd.s32 s0, s23;
	s24 =	sadd.s32 s2, s5;
	s5 =	smax.u32 s25, $0x1  }
0x10: {  	v2 =	vlaneseq.u32;
	s23 =	simm.s32 $0x4A00;
	s25 =	simm.s32 $0x5A00;
	[dreg:$0x4] =	wrdreg s0  }
0x11: {  	vm0 =	vmmov $0xffff;
	v1 =	vshrl.u32 v2, $0x3;
	s2 =	simm.s32 $0x9200;
	[dreg:$0x6] =	wrdreg s24;
	s26 =	sadd.s32 $0x2000, s24  }
0x12: {  	v0 =	vand.u32 $0x7, v2;
	v2 =	vor.u32 $0x8, v2;
	v1 =	vmul.u32 $0x8, v1;
	s24 =	simm.s32 $0x5200;
	[dreg:$0x5] =	wrdreg s26;
	s26 =	simm.s32 $0x6200  }
.LBB2_1:
0x13: {  	s15 =	rddreg [dreg:$0x4]  }
0x14: {  	[tilespmem:s3], [sflag:$0x2] =	stream.linear.gather [hbm4b:s15+s3], $0x200, $0x38;
	[tilespmem:$0x10200] =	vst v63  }
0x15: {  	_ =	swait.ge [sflag:s6], $0x200  }
0x16: {  	[sflag:s6] =	ssyncset.done $0x0  }
0x17: {  	[sflag:s6] =	ssyncadd.s32 $0xFFFFFE00  }
0x18: {  	v3 =	vld [tilespmem:$0x0];
	_ =	sdelay $0x4  }
0x19: {  	v4 =	vshll.u32 v3, $0x1  }
0x1a: {  	v3 =	vand.u32 $0x7, v3;
	v4 =	vand.u32 $0xFFFFFFF0, v4  }
0x1b: {  	v3 =	vor.u32 v3, v4  }
0x1c: {  	v4 =	vperm.xlane v3, v0;
	_ =	sdelay $0x1  }
0x1d: {  	v3 =	vperm.xlane v3, v2;
	v4 =	vadd.s32 v1, v4;
	_ =	sdelay $0x1  }
0x1e: {  	v3 =	vadd.s32 v1, v3;
	_ =	sdelay $0x1  }
0x1f: {  	s0 =	simm.s32 $0x200  }
0x20: {  	[tilespmem:s0], [sflag:$0x1] =	stream.indirect_vreg.gather [hbm4b:s1+s3], $0x80, v4, vm0, $0xb8;
	[tilespmem:$0x10200] =	vst v63  }
0x21: {  	s15 =	simm.s32 $0xA00  }
0x22: {  	[tilespmem:s15], [sflag:$0x1] =	stream.indirect_vreg.gather [hbm4b:s1+s3], $0x80, v3, vm0, $0xb8;
	[tilespmem:$0x10200] =	vst v63  }
0x23: {  	v3 =	vld [tilespmem:$0x10];
	_ =	sdelay $0x4  }
0x24: {  	v33 =	vshll.u32 v3, $0x1  }
0x25: {  	v3 =	vand.u32 $0x7, v3;
	v4 =	vand.u32 $0xFFFFFFF0, v33  }
0x26: {  	v3 =	vor.u32 v3, v4  }
0x27: {  	v4 =	vperm.xlane v3, v0;
	_ =	sdelay $0x1  }
0x28: {  	v3 =	vperm.xlane v3, v2;
	v4 =	vadd.s32 v1, v4;
	_ =	sdelay $0x1  }
0x29: {  	v3 =	vadd.s32 v1, v3;
	_ =	sdelay $0x2  }
0x2a: {  	[tilespmem:s16], [sflag:$0x1] =	stream.indirect_vreg.gather [hbm4b:s1+s3], $0x80, v4, vm0, $0xb8;
	[tilespmem:$0x10200] =	vst v63  }
0x2b: {  	_ = 	snop  }
0x2c: {  	[tilespmem:s17], [sflag:$0x1] =	stream.indirect_vreg.gather [hbm4b:s1+s3], $0x80, v3, vm0, $0xb8;
	[tilespmem:$0x10200] =	vst v63  }
0x2d: {  	v3 =	vld [tilespmem:$0x20];
	_ =	sdelay $0x4  }
0x2e: {  	v34 =	vshll.u32 v3, $0x1  }
0x2f: {  	v3 =	vand.u32 $0x7, v3;
	v4 =	vand.u32 $0xFFFFFFF0, v34  }
0x30: {  	v3 =	vor.u32 v3, v4  }
0x31: {  	v4 =	vperm.xlane v3, v0;
	_ =	sdelay $0x1  }
0x32: {  	v3 =	vperm.xlane v3, v2;
	v4 =	vadd.s32 v1, v4;
	_ =	sdelay $0x1  }
0x33: {  	v3 =	vadd.s32 v1, v3;
	_ =	sdelay $0x2  }
0x34: {  	[tilespmem:s18], [sflag:$0x1] =	stream.indirect_vreg.gather [hbm4b:s1+s3], $0x80, v4, vm0, $0xb8;
	[tilespmem:$0x10200] =	vst v63  }
0x35: {  	_ = 	snop  }
0x36: {  	[tilespmem:s19], [sflag:$0x1] =	stream.indirect_vreg.gather [hbm4b:s1+s3], $0x80, v3, vm0, $0xb8;
	[tilespmem:$0x10200] =	vst v63  }
0x37: {  	v3 =	vld [tilespmem:$0x30];
	_ =	sdelay $0x4  }
0x38: {  	v35 =	vshll.u32 v3, $0x1  }
0x39: {  	v3 =	vand.u32 $0x7, v3;
	v4 =	vand.u32 $0xFFFFFFF0, v35  }
0x3a: {  	v3 =	vor.u32 v3, v4  }
0x3b: {  	v4 =	vperm.xlane v3, v0;
	_ =	sdelay $0x1  }
0x3c: {  	v3 =	vperm.xlane v3, v2;
	v4 =	vadd.s32 v1, v4;
	_ =	sdelay $0x1  }
0x3d: {  	v3 =	vadd.s32 v1, v3;
	_ =	sdelay $0x2  }
0x3e: {  	[tilespmem:s4], [sflag:$0x1] =	stream.indirect_vreg.gather [hbm4b:s1+s3], $0x80, v4, vm0, $0xb8;
	[tilespmem:$0x10200] =	vst v63  }
0x3f: {  	_ = 	snop  }
0x40: {  	[tilespmem:s21], [sflag:$0x1] =	stream.indirect_vreg.gather [hbm4b:s1+s3], $0x80, v3, vm0, $0xb8;
	[tilespmem:$0x10200] =	vst v63  }
0x41: {  	v3 =	vld [tilespmem:$0x40];
	_ =	sdelay $0x4  }
0x42: {  	v36 =	vshll.u32 v3, $0x1  }
0x43: {  	v3 =	vand.u32 $0x7, v3;
	v4 =	vand.u32 $0xFFFFFFF0, v36  }
0x44: {  	v3 =	vor.u32 v3, v4  }
0x45: {  	v4 =	vperm.xlane v3, v0;
	_ =	sdelay $0x1  }
0x46: {  	v3 =	vperm.xlane v3, v2;
	v4 =	vadd.s32 v1, v4;
	_ =	sdelay $0x1  }
0x47: {  	v3 =	vadd.s32 v1, v3;
	_ =	sdelay $0x2  }
0x48: {  	[tilespmem:s22], [sflag:$0x1] =	stream.indirect_vreg.gather [hbm4b:s1+s3], $0x80, v4, vm0, $0xb8;
	[tilespmem:$0x10200] =	vst v63  }
0x49: {  	_ = 	snop  }
0x4a: {  	[tilespmem:s23], [sflag:$0x1] =	stream.indirect_vreg.gather [hbm4b:s1+s3], $0x80, v3, vm0, $0xb8;
	[tilespmem:$0x10200] =	vst v63  }
0x4b: {  	v3 =	vld [tilespmem:$0x50];
	_ =	sdelay $0x4  }
0x4c: {  	v37 =	vshll.u32 v3, $0x1  }
0x4d: {  	v3 =	vand.u32 $0x7, v3;
	v4 =	vand.u32 $0xFFFFFFF0, v37  }
0x4e: {  	v3 =	vor.u32 v3, v4  }
0x4f: {  	v4 =	vperm.xlane v3, v0;
	_ =	sdelay $0x1  }
0x50: {  	v3 =	vperm.xlane v3, v2;
	v4 =	vadd.s32 v1, v4;
	_ =	sdelay $0x1  }
0x51: {  	v3 =	vadd.s32 v1, v3;
	_ =	sdelay $0x2  }
0x52: {  	[tilespmem:s24], [sflag:$0x1] =	stream.indirect_vreg.gather [hbm4b:s1+s3], $0x80, v4, vm0, $0xb8;
	[tilespmem:$0x10200] =	vst v63  }
0x53: {  	_ = 	snop  }
0x54: {  	[tilespmem:s25], [sflag:$0x1] =	stream.indirect_vreg.gather [hbm4b:s1+s3], $0x80, v3, vm0, $0xb8;
	[tilespmem:$0x10200] =	vst v63  }
0x55: {  	v3 =	vld [tilespmem:$0x60];
	_ =	sdelay $0x4  }
0x56: {  	v38 =	vshll.u32 v3, $0x1  }
0x57: {  	v3 =	vand.u32 $0x7, v3;
	v4 =	vand.u32 $0xFFFFFFF0, v38  }
0x58: {  	v3 =	vor.u32 v3, v4  }
0x59: {  	v4 =	vperm.xlane v3, v0;
	_ =	sdelay $0x1  }
0x5a: {  	v3 =	vperm.xlane v3, v2;
	v4 =	vadd.s32 v1, v4;
	_ =	sdelay $0x1  }
0x5b: {  	v3 =	vadd.s32 v1, v3;
	_ =	sdelay $0x2  }
0x5c: {  	[tilespmem:s26], [sflag:$0x1] =	stream.indirect_vreg.gather [hbm4b:s1+s3], $0x80, v4, vm0, $0xb8;
	[tilespmem:$0x10200] =	vst v63  }
0x5d: {  	_ = 	snop  }
0x5e: {  	[tilespmem:s28], [sflag:$0x1] =	stream.indirect_vreg.gather [hbm4b:s1+s3], $0x80, v3, vm0, $0xb8;
	[tilespmem:$0x10200] =	vst v63  }
0x5f: {  	v3 =	vld [tilespmem:$0x70];
	_ =	sdelay $0x4  }
0x60: {  	v39 =	vshll.u32 v3, $0x1  }
0x61: {  	v3 =	vand.u32 $0x7, v3;
	v4 =	vand.u32 $0xFFFFFFF0, v39  }
0x62: {  	v3 =	vor.u32 v3, v4  }
0x63: {  	v4 =	vperm.xlane v3, v0;
	_ =	sdelay $0x1  }
0x64: {  	v3 =	vperm.xlane v3, v2;
	v4 =	vadd.s32 v1, v4;
	_ =	sdelay $0x1  }
0x65: {  	v3 =	vadd.s32 v1, v3;
	_ =	sdelay $0x2  }
0x66: {  	[tilespmem:s29], [sflag:$0x1] =	stream.indirect_vreg.gather [hbm4b:s1+s3], $0x80, v4, vm0, $0xb8;
	[tilespmem:$0x10200] =	vst v63  }
0x67: {  	_ = 	snop  }
0x68: {  	[tilespmem:s30], [sflag:$0x1] =	stream.indirect_vreg.gather [hbm4b:s1+s3], $0x80, v3, vm0, $0xb8;
	[tilespmem:$0x10200] =	vst v63  }
0x69: {  	v3 =	vld [tilespmem:$0x80];
	_ =	sdelay $0x4  }
0x6a: {  	v40 =	vshll.u32 v3, $0x1  }
0x6b: {  	v3 =	vand.u32 $0x7, v3;
	v4 =	vand.u32 $0xFFFFFFF0, v40  }
0x6c: {  	v3 =	vor.u32 v3, v4  }
0x6d: {  	v4 =	vperm.xlane v3, v0;
	_ =	sdelay $0x1  }
0x6e: {  	v3 =	vperm.xlane v3, v2;
	v4 =	vadd.s32 v1, v4;
	_ =	sdelay $0x1  }
0x6f: {  	v3 =	vadd.s32 v1, v3;
	_ =	sdelay $0x2  }
0x70: {  	[tilespmem:s31], [sflag:$0x1] =	stream.indirect_vreg.gather [hbm4b:s1+s3], $0x80, v4, vm0, $0xb8;
	[tilespmem:$0x10200] =	vst v63  }
0x71: {  	s20 =	simm.s32 $0x8A00  }
0x72: {  	[tilespmem:s20], [sflag:$0x1] =	stream.indirect_vreg.gather [hbm4b:s1+s3], $0x80, v3, vm0, $0xb8;
	[tilespmem:$0x10200] =	vst v63  }
0x73: {  	v3 =	vld [tilespmem:$0x90];
	_ =	sdelay $0x4  }
0x74: {  	v41 =	vshll.u32 v3, $0x1  }
0x75: {  	v3 =	vand.u32 $0x7, v3;
	v4 =	vand.u32 $0xFFFFFFF0, v41  }
0x76: {  	v3 =	vor.u32 v3, v4  }
0x77: {  	v4 =	vperm.xlane v3, v0;
	_ =	sdelay $0x1  }
0x78: {  	v3 =	vperm.xlane v3, v2;
	v4 =	vadd.s32 v1, v4;
	_ =	sdelay $0x1  }
0x79: {  	v3 =	vadd.s32 v1, v3;
	_ =	sdelay $0x2  }
0x7a: {  	[tilespmem:s2], [sflag:$0x1] =	stream.indirect_vreg.gather [hbm4b:s1+s3], $0x80, v4, vm0, $0xb8;
	[tilespmem:$0x10200] =	vst v63  }
0x7b: {  	_ = 	snop  }
0x7c: {  	[tilespmem:s8], [sflag:$0x1] =	stream.indirect_vreg.gather [hbm4b:s1+s3], $0x80, v3, vm0, $0xb8;
	[tilespmem:$0x10200] =	vst v63  }
0x7d: {  	v3 =	vld [tilespmem:$0xA0];
	_ =	sdelay $0x4  }
0x7e: {  	v42 =	vshll.u32 v3, $0x1  }
0x7f: {  	v3 =	vand.u32 $0x7, v3;
	v4 =	vand.u32 $0xFFFFFFF0, v42  }
0x80: {  	v3 =	vor.u32 v3, v4  }
0x81: {  	v4 =	vperm.xlane v3, v0;
	_ =	sdelay $0x1  }
0x82: {  	v3 =	vperm.xlane v3, v2;
	v4 =	vadd.s32 v1, v4;
	_ =	sdelay $0x1  }
0x83: {  	v3 =	vadd.s32 v1, v3;
	_ =	sdelay $0x2  }
0x84: {  	[tilespmem:s9], [sflag:$0x1] =	stream.indirect_vreg.gather [hbm4b:s1+s3], $0x80, v4, vm0, $0xb8;
	[tilespmem:$0x10200] =	vst v63  }
0x85: {  	_ = 	snop  }
0x86: {  	[tilespmem:s10], [sflag:$0x1] =	stream.indirect_vreg.gather [hbm4b:s1+s3], $0x80, v3, vm0, $0xb8;
	[tilespmem:$0x10200] =	vst v63  }
0x87: {  	v3 =	vld [tilespmem:$0xB0];
	_ =	sdelay $0x4  }
0x88: {  	v43 =	vshll.u32 v3, $0x1  }
0x89: {  	v3 =	vand.u32 $0x7, v3;
	v4 =	vand.u32 $0xFFFFFFF0, v43  }
0x8a: {  	v3 =	vor.u32 v3, v4  }
0x8b: {  	v4 =	vperm.xlane v3, v0;
	_ =	sdelay $0x1  }
0x8c: {  	v3 =	vperm.xlane v3, v2;
	v4 =	vadd.s32 v1, v4;
	_ =	sdelay $0x1  }
0x8d: {  	v3 =	vadd.s32 v1, v3;
	_ =	sdelay $0x2  }
0x8e: {  	[tilespmem:s11], [sflag:$0x1] =	stream.indirect_vreg.gather [hbm4b:s1+s3], $0x80, v4, vm0, $0xb8;
	[tilespmem:$0x10200] =	vst v63  }
0x8f: {  	_ = 	snop  }
0x90: {  	[tilespmem:s12], [sflag:$0x1] =	stream.indirect_vreg.gather [hbm4b:s1+s3], $0x80, v3, vm0, $0xb8;
	[tilespmem:$0x10200] =	vst v63  }
0x91: {  	v3 =	vld [tilespmem:$0xC0];
	_ =	sdelay $0x4  }
0x92: {  	v44 =	vshll.u32 v3, $0x1  }
0x93: {  	v3 =	vand.u32 $0x7, v3;
	v4 =	vand.u32 $0xFFFFFFF0, v44  }
0x94: {  	v3 =	vor.u32 v3, v4  }
0x95: {  	v4 =	vperm.xlane v3, v0;
	_ =	sdelay $0x1  }
0x96: {  	v3 =	vperm.xlane v3, v2;
	v4 =	vadd.s32 v1, v4;
	_ =	sdelay $0x1  }
0x97: {  	v3 =	vadd.s32 v1, v3;
	_ =	sdelay $0x2  }
0x98: {  	[tilespmem:s13], [sflag:$0x1] =	stream.indirect_vreg.gather [hbm4b:s1+s3], $0x80, v4, vm0, $0xb8;
	[tilespmem:$0x10200] =	vst v63  }
0x99: {  	_ = 	snop  }
0x9a: {  	[tilespmem:s7], [sflag:$0x1] =	stream.indirect_vreg.gather [hbm4b:s1+s3], $0x80, v3, vm0, $0xb8;
	[tilespmem:$0x10200] =	vst v63  }
0x9b: {  	v3 =	vld [tilespmem:$0xD0];
	_ =	sdelay $0x4  }
0x9c: {  	v45 =	vshll.u32 v3, $0x1  }
0x9d: {  	v3 =	vand.u32 $0x7, v3;
	v4 =	vand.u32 $0xFFFFFFF0, v45  }
0x9e: {  	v3 =	vor.u32 v3, v4  }
0x9f: {  	v4 =	vperm.xlane v3, v0;
	_ =	sdelay $0x1  }
0xa0: {  	v3 =	vperm.xlane v3, v2;
	v4 =	vadd.s32 v1, v4;
	_ =	sdelay $0x1  }
0xa1: {  	v3 =	vadd.s32 v1, v3;
	_ =	sdelay $0x1  }
0xa2: {  	s20 =	simm.s32 $0xD200  }
0xa3: {  	[tilespmem:s20], [sflag:$0x1] =	stream.indirect_vreg.gather [hbm4b:s1+s3], $0x80, v4, vm0, $0xb8;
	[tilespmem:$0x10200] =	vst v63  }
0xa4: {  	s20 =	simm.s32 $0xDA00  }
0xa5: {  	[tilespmem:s20], [sflag:$0x1] =	stream.indirect_vreg.gather [hbm4b:s1+s3], $0x80, v3, vm0, $0xb8;
	[tilespmem:$0x10200] =	vst v63  }
0xa6: {  	v3 =	vld [tilespmem:$0xE0];
	_ =	sdelay $0x4  }
0xa7: {  	v46 =	vshll.u32 v3, $0x1  }
0xa8: {  	v3 =	vand.u32 $0x7, v3;
	v4 =	vand.u32 $0xFFFFFFF0, v46  }
0xa9: {  	v3 =	vor.u32 v3, v4  }
0xaa: {  	v4 =	vperm.xlane v3, v0;
	_ =	sdelay $0x1  }
0xab: {  	v3 =	vperm.xlane v3, v2;
	v4 =	vadd.s32 v1, v4;
	_ =	sdelay $0x1  }
0xac: {  	v3 =	vadd.s32 v1, v3;
	_ =	sdelay $0x1  }
0xad: {  	s20 =	simm.s32 $0xE200  }
0xae: {  	[tilespmem:s20], [sflag:$0x1] =	stream.indirect_vreg.gather [hbm4b:s1+s3], $0x80, v4, vm0, $0xb8;
	[tilespmem:$0x10200] =	vst v63  }
0xaf: {  	s20 =	simm.s32 $0xEA00  }
0xb0: {  	[tilespmem:s20], [sflag:$0x1] =	stream.indirect_vreg.gather [hbm4b:s1+s3], $0x80, v3, vm0, $0xb8;
	[tilespmem:$0x10200] =	vst v63  }
0xb1: {  	v3 =	vld [tilespmem:$0xF0];
	_ =	sdelay $0x4  }
0xb2: {  	v47 =	vshll.u32 v3, $0x1  }
0xb3: {  	v3 =	vand.u32 $0x7, v3;
	v4 =	vand.u32 $0xFFFFFFF0, v47  }
0xb4: {  	v3 =	vor.u32 v3, v4  }
0xb5: {  	v4 =	vperm.xlane v3, v0;
	_ =	sdelay $0x1  }
0xb6: {  	v3 =	vperm.xlane v3, v2;
	v4 =	vadd.s32 v1, v4;
	_ =	sdelay $0x1  }
0xb7: {  	v3 =	vadd.s32 v1, v3;
	_ =	sdelay $0x1  }
0xb8: {  	s20 =	simm.s32 $0xF200  }
0xb9: {  	[tilespmem:s20], [sflag:$0x1] =	stream.indirect_vreg.gather [hbm4b:s1+s3], $0x80, v4, vm0, $0xb8;
	[tilespmem:$0x10200] =	vst v63  }
0xba: {  	s20 =	simm.s32 $0xFA00  }
0xbb: {  	[tilespmem:s20], [sflag:$0x1] =	stream.indirect_vreg.gather [hbm4b:s1+s3], $0x80, v3, vm0, $0xb8;
	[tilespmem:$0x10200] =	vst v63  }
0xbc: {  	_ =	swait.ge [sflag:s14], $0x10000  }
0xbd: {  	[sflag:s14] =	ssyncset.done $0x0  }
0xbe: {  	s0 =	simm.s32 $0x200;
	s20 =	rddreg [dreg:$0x6];
	[sflag:s14] =	ssyncadd.s32 $0xFFFF0000  }
0xbf: {  	[hbm4b:s20+s3] =	stream.linear.scatter [tilespmem:s0], [sflag:$0x2], $0x10000, $0x38;
	[tilespmem:$0x10200] =	vst v63  }
0xc0: {  	_ =	swait.ge [sflag:s6], $0x10000  }
0xc1: {  	[sflag:s6] =	ssyncset.done $0x0  }
0xc2: {  	[sflag:s6] =	ssyncadd.s32 $0xFFFF0000  }
0xc3: {  	v3 =	vld [tilespmem:$0x100];
	_ =	sdelay $0x4  }
0xc4: {  	v48 =	vshll.u32 v3, $0x1  }
0xc5: {  	v3 =	vand.u32 $0x7, v3;
	v4 =	vand.u32 $0xFFFFFFF0, v48  }
0xc6: {  	v3 =	vor.u32 v3, v4  }
0xc7: {  	v4 =	vperm.xlane v3, v0;
	_ =	sdelay $0x1  }
0xc8: {  	v3 =	vperm.xlane v3, v2;
	v4 =	vadd.s32 v1, v4;
	_ =	sdelay $0x1  }
0xc9: {  	v3 =	vadd.s32 v1, v3;
	_ =	sdelay $0x2  }
0xca: {  	[tilespmem:s0], [sflag:$0x1] =	stream.indirect_vreg.gather [hbm4b:s1+s3], $0x80, v4, vm0, $0xb8;
	[tilespmem:$0x10200] =	vst v63  }
0xcb: {  	_ = 	snop  }
0xcc: {  	[tilespmem:s15], [sflag:$0x1] =	stream.indirect_vreg.gather [hbm4b:s1+s3], $0x80, v3, vm0, $0xb8;
	[tilespmem:$0x10200] =	vst v63  }
0xcd: {  	v3 =	vld [tilespmem:$0x110];
	_ =	sdelay $0x4  }
0xce: {  	v49 =	vshll.u32 v3, $0x1  }
0xcf: {  	v3 =	vand.u32 $0x7, v3;
	v4 =	vand.u32 $0xFFFFFFF0, v49  }
0xd0: {  	v3 =	vor.u32 v3, v4  }
0xd1: {  	v4 =	vperm.xlane v3, v0;
	_ =	sdelay $0x1  }
0xd2: {  	v3 =	vperm.xlane v3, v2;
	v4 =	vadd.s32 v1, v4;
	_ =	sdelay $0x1  }
0xd3: {  	v3 =	vadd.s32 v1, v3;
	_ =	sdelay $0x2  }
0xd4: {  	[tilespmem:s16], [sflag:$0x1] =	stream.indirect_vreg.gather [hbm4b:s1+s3], $0x80, v4, vm0, $0xb8;
	[tilespmem:$0x10200] =	vst v63  }
0xd5: {  	_ = 	snop  }
0xd6: {  	[tilespmem:s17], [sflag:$0x1] =	stream.indirect_vreg.gather [hbm4b:s1+s3], $0x80, v3, vm0, $0xb8;
	[tilespmem:$0x10200] =	vst v63  }
0xd7: {  	v3 =	vld [tilespmem:$0x120];
	_ =	sdelay $0x4  }
0xd8: {  	v50 =	vshll.u32 v3, $0x1  }
0xd9: {  	v3 =	vand.u32 $0x7, v3;
	v4 =	vand.u32 $0xFFFFFFF0, v50  }
0xda: {  	v3 =	vor.u32 v3, v4  }
0xdb: {  	v4 =	vperm.xlane v3, v0;
	_ =	sdelay $0x1  }
0xdc: {  	v3 =	vperm.xlane v3, v2;
	v4 =	vadd.s32 v1, v4;
	_ =	sdelay $0x1  }
0xdd: {  	v3 =	vadd.s32 v1, v3;
	_ =	sdelay $0x2  }
0xde: {  	[tilespmem:s18], [sflag:$0x1] =	stream.indirect_vreg.gather [hbm4b:s1+s3], $0x80, v4, vm0, $0xb8;
	[tilespmem:$0x10200] =	vst v63  }
0xdf: {  	_ = 	snop  }
0xe0: {  	[tilespmem:s19], [sflag:$0x1] =	stream.indirect_vreg.gather [hbm4b:s1+s3], $0x80, v3, vm0, $0xb8;
	[tilespmem:$0x10200] =	vst v63  }
0xe1: {  	v3 =	vld [tilespmem:$0x130];
	_ =	sdelay $0x4  }
0xe2: {  	v51 =	vshll.u32 v3, $0x1  }
0xe3: {  	v3 =	vand.u32 $0x7, v3;
	v4 =	vand.u32 $0xFFFFFFF0, v51  }
0xe4: {  	v3 =	vor.u32 v3, v4  }
0xe5: {  	v4 =	vperm.xlane v3, v0;
	_ =	sdelay $0x1  }
0xe6: {  	v3 =	vperm.xlane v3, v2;
	v4 =	vadd.s32 v1, v4;
	_ =	sdelay $0x1  }
0xe7: {  	v3 =	vadd.s32 v1, v3;
	_ =	sdelay $0x2  }
0xe8: {  	[tilespmem:s4], [sflag:$0x1] =	stream.indirect_vreg.gather [hbm4b:s1+s3], $0x80, v4, vm0, $0xb8;
	[tilespmem:$0x10200] =	vst v63  }
0xe9: {  	_ = 	snop  }
0xea: {  	[tilespmem:s21], [sflag:$0x1] =	stream.indirect_vreg.gather [hbm4b:s1+s3], $0x80, v3, vm0, $0xb8;
	[tilespmem:$0x10200] =	vst v63  }
0xeb: {  	v3 =	vld [tilespmem:$0x140];
	_ =	sdelay $0x4  }
0xec: {  	v52 =	vshll.u32 v3, $0x1  }
0xed: {  	v3 =	vand.u32 $0x7, v3;
	v4 =	vand.u32 $0xFFFFFFF0, v52  }
0xee: {  	v3 =	vor.u32 v3, v4  }
0xef: {  	v4 =	vperm.xlane v3, v0;
	_ =	sdelay $0x1  }
0xf0: {  	v3 =	vperm.xlane v3, v2;
	v4 =	vadd.s32 v1, v4;
	_ =	sdelay $0x1  }
0xf1: {  	v3 =	vadd.s32 v1, v3;
	_ =	sdelay $0x2  }
0xf2: {  	[tilespmem:s22], [sflag:$0x1] =	stream.indirect_vreg.gather [hbm4b:s1+s3], $0x80, v4, vm0, $0xb8;
	[tilespmem:$0x10200] =	vst v63  }
0xf3: {  	_ = 	snop  }
0xf4: {  	[tilespmem:s23], [sflag:$0x1] =	stream.indirect_vreg.gather [hbm4b:s1+s3], $0x80, v3, vm0, $0xb8;
	[tilespmem:$0x10200] =	vst v63  }
0xf5: {  	v3 =	vld [tilespmem:$0x150];
	_ =	sdelay $0x4  }
0xf6: {  	v53 =	vshll.u32 v3, $0x1  }
0xf7: {  	v3 =	vand.u32 $0x7, v3;
	v4 =	vand.u32 $0xFFFFFFF0, v53  }
0xf8: {  	v3 =	vor.u32 v3, v4  }
0xf9: {  	v4 =	vperm.xlane v3, v0;
	_ =	sdelay $0x1  }
0xfa: {  	v3 =	vperm.xlane v3, v2;
	v4 =	vadd.s32 v1, v4;
	_ =	sdelay $0x1  }
0xfb: {  	v3 =	vadd.s32 v1, v3;
	_ =	sdelay $0x2  }
0xfc: {  	[tilespmem:s24], [sflag:$0x1] =	stream.indirect_vreg.gather [hbm4b:s1+s3], $0x80, v4, vm0, $0xb8;
	[tilespmem:$0x10200] =	vst v63  }
0xfd: {  	_ = 	snop  }
0xfe: {  	[tilespmem:s25], [sflag:$0x1] =	stream.indirect_vreg.gather [hbm4b:s1+s3], $0x80, v3, vm0, $0xb8;
	[tilespmem:$0x10200] =	vst v63  }
0xff: {  	v3 =	vld [tilespmem:$0x160];
	_ =	sdelay $0x4  }
0x100: {  	v54 =	vshll.u32 v3, $0x1  }
0x101: {  	v3 =	vand.u32 $0x7, v3;
	v4 =	vand.u32 $0xFFFFFFF0, v54  }
0x102: {  	v3 =	vor.u32 v3, v4  }
0x103: {  	v4 =	vperm.xlane v3, v0;
	_ =	sdelay $0x1  }
0x104: {  	v3 =	vperm.xlane v3, v2;
	v4 =	vadd.s32 v1, v4;
	_ =	sdelay $0x1  }
0x105: {  	v3 =	vadd.s32 v1, v3;
	_ =	sdelay $0x2  }
0x106: {  	[tilespmem:s26], [sflag:$0x1] =	stream.indirect_vreg.gather [hbm4b:s1+s3], $0x80, v4, vm0, $0xb8;
	[tilespmem:$0x10200] =	vst v63  }
0x107: {  	_ = 	snop  }
0x108: {  	[tilespmem:s28], [sflag:$0x1] =	stream.indirect_vreg.gather [hbm4b:s1+s3], $0x80, v3, vm0, $0xb8;
	[tilespmem:$0x10200] =	vst v63  }
0x109: {  	v3 =	vld [tilespmem:$0x170];
	_ =	sdelay $0x4  }
0x10a: {  	v55 =	vshll.u32 v3, $0x1  }
0x10b: {  	v3 =	vand.u32 $0x7, v3;
	v4 =	vand.u32 $0xFFFFFFF0, v55  }
0x10c: {  	v3 =	vor.u32 v3, v4  }
0x10d: {  	v4 =	vperm.xlane v3, v0;
	_ =	sdelay $0x1  }
0x10e: {  	v3 =	vperm.xlane v3, v2;
	v4 =	vadd.s32 v1, v4;
	_ =	sdelay $0x1  }
0x10f: {  	v3 =	vadd.s32 v1, v3;
	_ =	sdelay $0x2  }
0x110: {  	[tilespmem:s29], [sflag:$0x1] =	stream.indirect_vreg.gather [hbm4b:s1+s3], $0x80, v4, vm0, $0xb8;
	[tilespmem:$0x10200] =	vst v63  }
0x111: {  	_ = 	snop  }
0x112: {  	[tilespmem:s30], [sflag:$0x1] =	stream.indirect_vreg.gather [hbm4b:s1+s3], $0x80, v3, vm0, $0xb8;
	[tilespmem:$0x10200] =	vst v63  }
0x113: {  	v3 =	vld [tilespmem:$0x180];
	_ =	sdelay $0x4  }
0x114: {  	v56 =	vshll.u32 v3, $0x1  }
0x115: {  	v3 =	vand.u32 $0x7, v3;
	v4 =	vand.u32 $0xFFFFFFF0, v56  }
0x116: {  	v3 =	vor.u32 v3, v4  }
0x117: {  	v4 =	vperm.xlane v3, v0;
	_ =	sdelay $0x1  }
0x118: {  	v3 =	vperm.xlane v3, v2;
	v4 =	vadd.s32 v1, v4;
	_ =	sdelay $0x1  }
0x119: {  	v3 =	vadd.s32 v1, v3;
	_ =	sdelay $0x2  }
0x11a: {  	[tilespmem:s31], [sflag:$0x1] =	stream.indirect_vreg.gather [hbm4b:s1+s3], $0x80, v4, vm0, $0xb8;
	[tilespmem:$0x10200] =	vst v63  }
0x11b: {  	s15 =	simm.s32 $0x8A00  }
0x11c: {  	[tilespmem:s15], [sflag:$0x1] =	stream.indirect_vreg.gather [hbm4b:s1+s3], $0x80, v3, vm0, $0xb8;
	[tilespmem:$0x10200] =	vst v63  }
0x11d: {  	v3 =	vld [tilespmem:$0x190];
	_ =	sdelay $0x4  }
0x11e: {  	v57 =	vshll.u32 v3, $0x1  }
0x11f: {  	v3 =	vand.u32 $0x7, v3;
	v4 =	vand.u32 $0xFFFFFFF0, v57  }
0x120: {  	v3 =	vor.u32 v3, v4  }
0x121: {  	v4 =	vperm.xlane v3, v0;
	_ =	sdelay $0x1  }
0x122: {  	v3 =	vperm.xlane v3, v2;
	v4 =	vadd.s32 v1, v4;
	_ =	sdelay $0x1  }
0x123: {  	v3 =	vadd.s32 v1, v3;
	_ =	sdelay $0x2  }
0x124: {  	[tilespmem:s2], [sflag:$0x1] =	stream.indirect_vreg.gather [hbm4b:s1+s3], $0x80, v4, vm0, $0xb8;
	[tilespmem:$0x10200] =	vst v63  }
0x125: {  	_ = 	snop  }
0x126: {  	[tilespmem:s8], [sflag:$0x1] =	stream.indirect_vreg.gather [hbm4b:s1+s3], $0x80, v3, vm0, $0xb8;
	[tilespmem:$0x10200] =	vst v63  }
0x127: {  	v3 =	vld [tilespmem:$0x1A0];
	_ =	sdelay $0x4  }
0x128: {  	v58 =	vshll.u32 v3, $0x1  }
0x129: {  	v3 =	vand.u32 $0x7, v3;
	v4 =	vand.u32 $0xFFFFFFF0, v58  }
0x12a: {  	v3 =	vor.u32 v3, v4  }
0x12b: {  	v4 =	vperm.xlane v3, v0;
	_ =	sdelay $0x1  }
0x12c: {  	v3 =	vperm.xlane v3, v2;
	v4 =	vadd.s32 v1, v4;
	_ =	sdelay $0x1  }
0x12d: {  	v3 =	vadd.s32 v1, v3;
	_ =	sdelay $0x2  }
0x12e: {  	[tilespmem:s9], [sflag:$0x1] =	stream.indirect_vreg.gather [hbm4b:s1+s3], $0x80, v4, vm0, $0xb8;
	[tilespmem:$0x10200] =	vst v63  }
0x12f: {  	_ = 	snop  }
0x130: {  	[tilespmem:s10], [sflag:$0x1] =	stream.indirect_vreg.gather [hbm4b:s1+s3], $0x80, v3, vm0, $0xb8;
	[tilespmem:$0x10200] =	vst v63  }
0x131: {  	v3 =	vld [tilespmem:$0x1B0];
	_ =	sdelay $0x4  }
0x132: {  	v59 =	vshll.u32 v3, $0x1  }
0x133: {  	v3 =	vand.u32 $0x7, v3;
	v4 =	vand.u32 $0xFFFFFFF0, v59  }
0x134: {  	v3 =	vor.u32 v3, v4  }
0x135: {  	v4 =	vperm.xlane v3, v0;
	_ =	sdelay $0x1  }
0x136: {  	v3 =	vperm.xlane v3, v2;
	v4 =	vadd.s32 v1, v4;
	_ =	sdelay $0x1  }
0x137: {  	v3 =	vadd.s32 v1, v3;
	_ =	sdelay $0x2  }
0x138: {  	[tilespmem:s11], [sflag:$0x1] =	stream.indirect_vreg.gather [hbm4b:s1+s3], $0x80, v4, vm0, $0xb8;
	[tilespmem:$0x10200] =	vst v63  }
0x139: {  	_ = 	snop  }
0x13a: {  	[tilespmem:s12], [sflag:$0x1] =	stream.indirect_vreg.gather [hbm4b:s1+s3], $0x80, v3, vm0, $0xb8;
	[tilespmem:$0x10200] =	vst v63  }
0x13b: {  	v3 =	vld [tilespmem:$0x1C0];
	_ =	sdelay $0x4  }
0x13c: {  	v60 =	vshll.u32 v3, $0x1  }
0x13d: {  	v3 =	vand.u32 $0x7, v3;
	v4 =	vand.u32 $0xFFFFFFF0, v60  }
0x13e: {  	v3 =	vor.u32 v3, v4  }
0x13f: {  	v4 =	vperm.xlane v3, v0;
	_ =	sdelay $0x1  }
0x140: {  	v3 =	vperm.xlane v3, v2;
	v4 =	vadd.s32 v1, v4;
	_ =	sdelay $0x1  }
0x141: {  	v3 =	vadd.s32 v1, v3;
	_ =	sdelay $0x2  }
0x142: {  	[tilespmem:s13], [sflag:$0x1] =	stream.indirect_vreg.gather [hbm4b:s1+s3], $0x80, v4, vm0, $0xb8;
	[tilespmem:$0x10200] =	vst v63  }
0x143: {  	_ = 	snop  }
0x144: {  	[tilespmem:s7], [sflag:$0x1] =	stream.indirect_vreg.gather [hbm4b:s1+s3], $0x80, v3, vm0, $0xb8;
	[tilespmem:$0x10200] =	vst v63  }
0x145: {  	v3 =	vld [tilespmem:$0x1D0];
	_ =	sdelay $0x4  }
0x146: {  	v61 =	vshll.u32 v3, $0x1  }
0x147: {  	v3 =	vand.u32 $0x7, v3;
	v4 =	vand.u32 $0xFFFFFFF0, v61  }
0x148: {  	v3 =	vor.u32 v3, v4  }
0x149: {  	v4 =	vperm.xlane v3, v0;
	_ =	sdelay $0x1  }
0x14a: {  	v3 =	vperm.xlane v3, v2;
	v4 =	vadd.s32 v1, v4;
	_ =	sdelay $0x1  }
0x14b: {  	v3 =	vadd.s32 v1, v3;
	_ =	sdelay $0x1  }
0x14c: {  	s15 =	simm.s32 $0xD200  }
0x14d: {  	[tilespmem:s15], [sflag:$0x1] =	stream.indirect_vreg.gather [hbm4b:s1+s3], $0x80, v4, vm0, $0xb8;
	[tilespmem:$0x10200] =	vst v63  }
0x14e: {  	s15 =	simm.s32 $0xDA00  }
0x14f: {  	[tilespmem:s15], [sflag:$0x1] =	stream.indirect_vreg.gather [hbm4b:s1+s3], $0x80, v3, vm0, $0xb8;
	[tilespmem:$0x10200] =	vst v63  }
0x150: {  	v3 =	vld [tilespmem:$0x1E0];
	_ =	sdelay $0x4  }
0x151: {  	v62 =	vshll.u32 v3, $0x1  }
0x152: {  	v3 =	vand.u32 $0x7, v3;
	v4 =	vand.u32 $0xFFFFFFF0, v62  }
0x153: {  	v3 =	vor.u32 v3, v4  }
0x154: {  	v4 =	vperm.xlane v3, v0;
	_ =	sdelay $0x1  }
0x155: {  	v3 =	vperm.xlane v3, v2;
	v4 =	vadd.s32 v1, v4;
	_ =	sdelay $0x1  }
0x156: {  	v3 =	vadd.s32 v1, v3;
	_ =	sdelay $0x1  }
0x157: {  	s15 =	simm.s32 $0xE200  }
0x158: {  	[tilespmem:s15], [sflag:$0x1] =	stream.indirect_vreg.gather [hbm4b:s1+s3], $0x80, v4, vm0, $0xb8;
	[tilespmem:$0x10200] =	vst v63  }
0x159: {  	s15 =	simm.s32 $0xEA00  }
0x15a: {  	[tilespmem:s15], [sflag:$0x1] =	stream.indirect_vreg.gather [hbm4b:s1+s3], $0x80, v3, vm0, $0xb8;
	[tilespmem:$0x10200] =	vst v63  }
0x15b: {  	v3 =	vld [tilespmem:$0x1F0];
	_ =	sdelay $0x4  }
0x15c: {  	v63 =	vshll.u32 v3, $0x1  }
0x15d: {  	v3 =	vand.u32 $0x7, v3;
	v4 =	vand.u32 $0xFFFFFFF0, v63  }
0x15e: {  	v3 =	vor.u32 v3, v4  }
0x15f: {  	v4 =	vperm.xlane v3, v0;
	_ =	sdelay $0x1  }
0x160: {  	v3 =	vperm.xlane v3, v2;
	v4 =	vadd.s32 v1, v4;
	_ =	sdelay $0x1  }
0x161: {  	v3 =	vadd.s32 v1, v3;
	_ =	sdelay $0x1  }
0x162: {  	s15 =	simm.s32 $0xF200  }
0x163: {  	[tilespmem:s15], [sflag:$0x1] =	stream.indirect_vreg.gather [hbm4b:s1+s3], $0x80, v4, vm0, $0xb8;
	[tilespmem:$0x10200] =	vst v63  }
0x164: {  	s15 =	simm.s32 $0xFA00  }
0x165: {  	[tilespmem:s15], [sflag:$0x1] =	stream.indirect_vreg.gather [hbm4b:s1+s3], $0x80, v3, vm0, $0xb8;
	[tilespmem:$0x10200] =	vst v63  }
0x166: {  	_ =	swait.ge [sflag:s14], $0x10000  }
0x167: {  	p0 =	sne.s32 s5, $0x1;
	s20 =	simm.s32 $0x200;
	[sflag:s14] =	ssyncset.done $0x0  }
.Ltmp0:
0x168: {  	s0 =	rddreg [dreg:$0x5];
	[sflag:s14] =	ssyncadd.s32 $0xFFFF0000;
	(pc) =	sbr.rel @p0 .LBB2_1-.Ltmp0, $4  }
0x169: {  	[hbm4b:s0+s3] =	stream.linear.scatter [tilespmem:s20], [sflag:$0x2], $0x10000, $0x38;
	[tilespmem:$0x10200] =	vst v63  }
0x16a: {  	_ =	swait.ge [sflag:s6], $0x10000  }
0x16b: {  	[sflag:s6] =	ssyncset.done $0x0  }
0x16c: {  	s5 =	sadd.s32 $0xFFFFFFFF, s5;
	[sflag:s6] =	ssyncadd.s32 $0xFFFF0000  }
0x16d: {  	_ =	sfence.sel $0x180000  }
0x16e: {  	[bflag:$0x0] =	sbarrier.arrive $0xFFFF  }
0x16f: {  	_ =	strace $0x90000047  }
0x170: {  	s0 =	stileid.u32;
	[bflag:$0x2] =	sbarrier.arrive $0xFFFF  }
0x171: {  	p0 =	sne.s32 s0, $0x0;
	s0 =	rddreg [dreg:$0x3]  }
0x172: {  	s0 =	sadd.s32 @!p0 $0x100000, s0  }
0x173: {  	[sflag:s0] =	ssyncadd.tile.s32 @!p0 $0x1;
	_ =	shalt  }
.Lfunc_end2:
_tile_overlayer_lowered:
.L_overlay_start_2:
0x174: {  	(tag) =	ssettag $0x2  }
0x175: {  	s0 =	rddreg [dreg:$0x0];
	s2 =	stileid.u32  }
0x176: {  	s1 =	rddreg [dreg:$0x1];
	p0 =	sne.s32 s2, $0x0  }
0x177: {  	s3 =	rddreg [dreg:$0x2];
	[bflag:$0x3] =	sbarrier.arrive $0xFFFF;
	s2 =	simm.s32 @!p0 $0x1C02  }
0x178: {  	[timem:s3], [sflag:s2] =	dma.local @!p0 [hbm:s0], s1  }
0x179: {  	s0 =	simm.s32 @!p0 $0x2  }
0x17a: {  	_ =	swait.ge @!p0 [sflag:s0], s1  }
0x17b: {  	s1 =	ssub.s32 @!p0 $0x0, s1;
	[sflag:s0] =	ssyncset.done @!p0 $0x0  }
0x17c: {  	[sflag:s0] =	ssyncadd.s32 @!p0 s1  }
0x17d: {  	[bflag:$0x3] =	sbarrier.arrive $0xFFFF  }
0x17e: {  	_ =	shalt  }

</sc_bundles>
